<compile_context>
chip_gen: v7x
topology: tpu7x:2x2x1
jax: 0.10.2.dev20260603
libtpu: 0.0.44.dev20260713+nightly
codegen_flags: <defaults>
</compile_context>

<pallas_src>
import functools

import jax
import jax.numpy as jnp
from jax import lax
from jax.experimental import pallas as pl
from jax.experimental.pallas import tpu as pltpu
from jax.experimental.pallas import tpu_sc as plsc

N_ROWS = 16384
N_COLS = 1000
N_OUT = 200

NC = 2
NS = 16
NW = NC * NS

W = N_ROWS // NW
SPLIT = 104


def _make_sc_kernel():
    mesh = plsc.VectorSubcoreMesh(core_axis_name="c", subcore_axis_name="s")

    @functools.partial(
        pl.kernel,
        mesh=mesh,
        out_type=jax.ShapeDtypeStruct((N_OUT, N_ROWS), jnp.float32),
        scratch_types=[
            pltpu.VMEM((N_OUT,), jnp.int32),
            pltpu.VMEM((SPLIT, W), jnp.float32),
            pltpu.VMEM((N_OUT - SPLIT, W), jnp.float32),
            pltpu.SemaphoreType.DMA,
            pltpu.SemaphoreType.DMA,
            pltpu.SemaphoreType.DMA,
            pltpu.SemaphoreType.DMA,
        ],
        compiler_params=pltpu.CompilerParams(needs_layout_passes=False),
    )
    def sc_gather(xt_hbm, mask_hbm, outt_hbm, mask_v, buf0, buf1,
                  gsem0, gsem1, wsem0, wsem1):
        wid = lax.axis_index("s") * NC + lax.axis_index("c")
        c0 = wid * W

        pltpu.sync_copy(mask_hbm, mask_v)

        g0 = pltpu.make_async_copy(
            xt_hbm.at[mask_v.at[pl.ds(0, SPLIT)], pl.ds(c0, W)], buf0, gsem0
        )
        g1 = pltpu.make_async_copy(
            xt_hbm.at[mask_v.at[pl.ds(SPLIT, N_OUT - SPLIT)], pl.ds(c0, W)],
            buf1, gsem1,
        )
        w0 = pltpu.make_async_copy(
            buf0, outt_hbm.at[pl.ds(0, SPLIT), pl.ds(c0, W)], wsem0
        )
        w1 = pltpu.make_async_copy(
            buf1, outt_hbm.at[pl.ds(SPLIT, N_OUT - SPLIT), pl.ds(c0, W)], wsem1
        )

        g0.start()
        g1.start()
        g0.wait()
        w0.start()
        g1.wait()
        w1.start()
        w0.wait()
        w1.wait()

    return sc_gather


_sc_gather = _make_sc_kernel()


@jax.jit
def kernel(x, mask):
    out_t = _sc_gather(x.T, mask.astype(jnp.int32))
    return out_t.T

# --- scband reference (transcript-rebuilt; emitter-appended) ---
"""Pipeline reference for scband-image-net-xmasking-layer-26542897889904 (READ-ONLY COPY).

The authoritative reference and input builder live on the scoring server;
editing this copy changes nothing except your own understanding.
"""

import jax, jax.numpy as jnp
import numpy as np

MASK = np.arange(0, 1000, 5, dtype=np.int64)  # 200 retained class indices, ImageNet-R style


def setup_inputs(seed: int = 0) -> dict:
    key = jax.random.key(seed)
    x = jax.random.normal(key, (16384, 1000), dtype=jnp.float32)
    mask = jnp.asarray(MASK, dtype=jnp.int64)
    return {"x": x, "mask": mask}


def reference(x, mask):
    # torch: x[:, self.mask]  -> column gather along axis 1
    return jnp.take(x, mask, axis=1)

if __name__ == "__main__":
    import jax
    _d = setup_inputs()
    print(jax.jit(kernel)(*tuple(_d.values())))

</pallas_src>

<mosaic_0001>
#map = affine_map<(d0, d1) -> (0, 0)>
#map1 = affine_map<(d0, d1) -> (0)>
module attributes {stable_mosaic.version = 14 : i64} {
  func.func @sc_gather(%arg0: i32, %arg1: i32, %arg2: memref<1000x16384xf32, #tpu.memory_space<hbm>>, %arg3: memref<200xi32, #tpu.memory_space<hbm>>, %arg4: memref<200x16384xf32, #tpu.memory_space<hbm>>, %arg5: memref<200xi32, #tpu.memory_space<vmem>>, %arg6: memref<104x512xf32, #tpu.memory_space<vmem>>, %arg7: memref<96x512xf32, #tpu.memory_space<vmem>>, %arg8: memref<!tpu.dma_semaphore, #tpu.memory_space<semaphore_mem>>, %arg9: memref<!tpu.dma_semaphore, #tpu.memory_space<semaphore_mem>>, %arg10: memref<!tpu.dma_semaphore, #tpu.memory_space<semaphore_mem>>, %arg11: memref<!tpu.dma_semaphore, #tpu.memory_space<semaphore_mem>>) attributes {dimension_semantics = [#tpu.dimension_semantics<core_parallel>, #tpu.dimension_semantics<subcore_parallel>], iteration_bounds = array<i64: 2, 16>, scalar_prefetch = 0 : i64, scratch_operands = 7 : i64, tpu.core_type = #tpu.core_type<sc_vector_subcore>, window_params = [{transform_indices = #map}, {transform_indices = #map1}, {transform_indices = #map}]} {
    %mul3A = arith.constant 2 : i32
    %mul3A_0 = arith.muli %arg1, %mul3A : i32
    %add3A = arith.addi %mul3A_0, %arg0 : i32
    %mul3A_1 = arith.constant 512 : i32
    %mul3A_2 = arith.muli %add3A, %mul3A_1 : i32
    "tpu.region"() ({
      %run_scoped3A = tpu.sem_alloc : memref<!tpu.dma_semaphore, #tpu.memory_space<semaphore_mem>>
      tpu.enqueue_dma source(%arg3 : memref<200xi32, #tpu.memory_space<hbm>>) target(%arg5 : memref<200xi32, #tpu.memory_space<vmem>>) target_semaphore(%run_scoped3A : memref<!tpu.dma_semaphore, #tpu.memory_space<semaphore_mem>>)
      tpu.wait_dma2 semaphore(%run_scoped3A : memref<!tpu.dma_semaphore, #tpu.memory_space<semaphore_mem>>) src(%arg3 : memref<200xi32, #tpu.memory_space<hbm>>) dst(%arg5 : memref<200xi32, #tpu.memory_space<vmem>>)
      tpu.yield
    }) : () -> ()
    %dma_start3A = arith.constant 0 : i32
    %dma_start3A_3 = tpu.memref_slice %arg5[%dma_start3A] : memref<200xi32, #tpu.memory_space<vmem>> -> memref<104xi32, #tpu.memory_space<vmem>>
    %dma_start3A_4 = arith.constant 0 : i32
    %dma_start3A_5 = tpu.memref_slice %arg2[%dma_start3A_4, %mul3A_2] : memref<1000x16384xf32, #tpu.memory_space<hbm>> -> memref<1000x512xf32, #tpu.memory_space<hbm>>
    tpu.enqueue_indirect_dma source(%dma_start3A_5 : memref<1000x512xf32, #tpu.memory_space<hbm>>) target(%arg6 : memref<104x512xf32, #tpu.memory_space<vmem>>) offsets(%dma_start3A_3 : memref<104xi32, #tpu.memory_space<vmem>>) semaphore(%arg8 : memref<!tpu.dma_semaphore, #tpu.memory_space<semaphore_mem>>)
    %dma_start3A_6 = arith.constant 104 : i32
    %dma_start3A_7 = tpu.memref_slice %arg5[%dma_start3A_6] : memref<200xi32, #tpu.memory_space<vmem>> -> memref<96xi32, #tpu.memory_space<vmem>>
    %dma_start3A_8 = arith.constant 0 : i32
    %dma_start3A_9 = tpu.memref_slice %arg2[%dma_start3A_8, %mul3A_2] : memref<1000x16384xf32, #tpu.memory_space<hbm>> -> memref<1000x512xf32, #tpu.memory_space<hbm>>
    tpu.enqueue_indirect_dma source(%dma_start3A_9 : memref<1000x512xf32, #tpu.memory_space<hbm>>) target(%arg7 : memref<96x512xf32, #tpu.memory_space<vmem>>) offsets(%dma_start3A_7 : memref<96xi32, #tpu.memory_space<vmem>>) semaphore(%arg9 : memref<!tpu.dma_semaphore, #tpu.memory_space<semaphore_mem>>)
    %dma_wait3A = arith.constant 0 : i32
    %dma_wait3A_10 = tpu.memref_slice %arg5[%dma_wait3A] : memref<200xi32, #tpu.memory_space<vmem>> -> memref<104xi32, #tpu.memory_space<vmem>>
    %dma_wait3A_11 = arith.constant 0 : i32
    %dma_wait3A_12 = tpu.memref_slice %arg2[%dma_wait3A_11, %mul3A_2] : memref<1000x16384xf32, #tpu.memory_space<hbm>> -> memref<1000x512xf32, #tpu.memory_space<hbm>>
    tpu.wait_indirect_dma semaphore(%arg8 : memref<!tpu.dma_semaphore, #tpu.memory_space<semaphore_mem>>) src(%dma_wait3A_12 : memref<1000x512xf32, #tpu.memory_space<hbm>>) dst(%arg6 : memref<104x512xf32, #tpu.memory_space<vmem>>)
    %dma_start3A_13 = arith.constant 0 : i32
    %dma_start3A_14 = tpu.memref_slice %arg4[%dma_start3A_13, %mul3A_2] : memref<200x16384xf32, #tpu.memory_space<hbm>> -> memref<104x512xf32, #tpu.memory_space<hbm>>
    %dma_start3A_15 = arith.constant 0 : i32
    %dma_start3A_16 = tpu.memref_slice %arg4[%dma_start3A_15, %mul3A_2] : memref<200x16384xf32, #tpu.memory_space<hbm>> -> memref<104x512xf32, #tpu.memory_space<hbm>>
    tpu.enqueue_dma source(%arg6 : memref<104x512xf32, #tpu.memory_space<vmem>>) target(%dma_start3A_16 : memref<104x512xf32, #tpu.memory_space<hbm>>) target_semaphore(%arg10 : memref<!tpu.dma_semaphore, #tpu.memory_space<semaphore_mem>>)
    %dma_wait3A_17 = arith.constant 104 : i32
    %dma_wait3A_18 = tpu.memref_slice %arg5[%dma_wait3A_17] : memref<200xi32, #tpu.memory_space<vmem>> -> memref<96xi32, #tpu.memory_space<vmem>>
    %dma_wait3A_19 = arith.constant 0 : i32
    %dma_wait3A_20 = tpu.memref_slice %arg2[%dma_wait3A_19, %mul3A_2] : memref<1000x16384xf32, #tpu.memory_space<hbm>> -> memref<1000x512xf32, #tpu.memory_space<hbm>>
    tpu.wait_indirect_dma semaphore(%arg9 : memref<!tpu.dma_semaphore, #tpu.memory_space<semaphore_mem>>) src(%dma_wait3A_20 : memref<1000x512xf32, #tpu.memory_space<hbm>>) dst(%arg7 : memref<96x512xf32, #tpu.memory_space<vmem>>)
    %dma_start3A_21 = arith.constant 104 : i32
    %dma_start3A_22 = tpu.memref_slice %arg4[%dma_start3A_21, %mul3A_2] : memref<200x16384xf32, #tpu.memory_space<hbm>> -> memref<96x512xf32, #tpu.memory_space<hbm>>
    %dma_start3A_23 = arith.constant 104 : i32
    %dma_start3A_24 = tpu.memref_slice %arg4[%dma_start3A_23, %mul3A_2] : memref<200x16384xf32, #tpu.memory_space<hbm>> -> memref<96x512xf32, #tpu.memory_space<hbm>>
    tpu.enqueue_dma source(%arg7 : memref<96x512xf32, #tpu.memory_space<vmem>>) target(%dma_start3A_24 : memref<96x512xf32, #tpu.memory_space<hbm>>) target_semaphore(%arg11 : memref<!tpu.dma_semaphore, #tpu.memory_space<semaphore_mem>>)
    %dma_wait3A_25 = arith.constant 0 : i32
    %dma_wait3A_26 = tpu.memref_slice %arg4[%dma_wait3A_25, %mul3A_2] : memref<200x16384xf32, #tpu.memory_space<hbm>> -> memref<104x512xf32, #tpu.memory_space<hbm>>
    %dma_wait3A_27 = arith.constant 0 : i32
    %dma_wait3A_28 = tpu.memref_slice %arg4[%dma_wait3A_27, %mul3A_2] : memref<200x16384xf32, #tpu.memory_space<hbm>> -> memref<104x512xf32, #tpu.memory_space<hbm>>
    tpu.wait_dma2 semaphore(%arg10 : memref<!tpu.dma_semaphore, #tpu.memory_space<semaphore_mem>>) src(%arg6 : memref<104x512xf32, #tpu.memory_space<vmem>>) dst(%dma_wait3A_28 : memref<104x512xf32, #tpu.memory_space<hbm>>)
    %dma_wait3A_29 = arith.constant 104 : i32
    %dma_wait3A_30 = tpu.memref_slice %arg4[%dma_wait3A_29, %mul3A_2] : memref<200x16384xf32, #tpu.memory_space<hbm>> -> memref<96x512xf32, #tpu.memory_space<hbm>>
    %dma_wait3A_31 = arith.constant 104 : i32
    %dma_wait3A_32 = tpu.memref_slice %arg4[%dma_wait3A_31, %mul3A_2] : memref<200x16384xf32, #tpu.memory_space<hbm>> -> memref<96x512xf32, #tpu.memory_space<hbm>>
    tpu.wait_dma2 semaphore(%arg11 : memref<!tpu.dma_semaphore, #tpu.memory_space<semaphore_mem>>) src(%arg7 : memref<96x512xf32, #tpu.memory_space<vmem>>) dst(%dma_wait3A_32 : memref<96x512xf32, #tpu.memory_space<hbm>>)
    return
  }
}

</mosaic_0001>

<sc_bundles>
// kernel: kernel.3.cloned.1.call-start
scs
__scs_entry_jumppad:
0x0: {  	(pc) =	sbr.rel $0x88, $3  }
0x1: {  	(tag) =	ssettag $0x0;
	lr =	simm.s32 $0x1  }
0x2: {  	[smem:$0x3F9F] =	sst lr;
	_ =	strace $0xD0000000  }
0x3: {  	_ = 	snop  }
0x4: {  	_ = 	snop  }
0x5: {  	_ = 	snop  }
0x6: {  	_ = 	snop  }
0x7: {  	_ = 	snop  }
__scs_overlays_trampoline_lowered:
0x8: {  	[smem:$0x3FAE] =	sst s0  }
0x9: {  	[smem:$0x3FAF] =	sst s1  }
0xa: {  	[smem:$0x3FB0] =	sst s2  }
0xb: {  	[smem:$0x3FB1] =	sst s3  }
0xc: {  	[smem:$0x3FB2] =	sst s4  }
0xd: {  	[smem:$0x3FB3] =	sst s5  }
0xe: {  	[smem:$0x3FB4] =	sst s6  }
0xf: {  	[smem:$0x3FB5] =	sst s7  }
0x10: {  	[smem:$0x3FB6] =	sst s8  }
0x11: {  	[smem:$0x3FB7] =	sst s9;
	s0 =	simm.s32 @!p0 $0x0  }
0x12: {  	s1 =	sld [smem:$0x3F9D];
	s0 =	simm.s32 @p0 $0x1  }
0x13: {  	[smem:$0x3FB8] =	sst s0;
	s0 =	simm.s32 @!p1 $0x0  }
0x14: {  	s2 =	sld [smem:$0x3F9C];
	s0 =	simm.s32 @p1 $0x1  }
0x15: {  	[smem:$0x3FB9] =	sst s0;
	s0 =	simm.s32 @!p2 $0x0  }
0x16: {  	s3 =	sld [smem:$0x3FDB];
	s0 =	simm.s32 @p2 $0x1  }
0x17: {  	s4 =	simm.s32 $0x1BF5;
	[smem:$0x3FBB] =	sst s0  }
0x18: {  	s0 =	sld [smem:$0x3F9E];
	_ =	swait.ge [sflag:s4], $0x0  }
0x19: {  	s7 =	sld [smem:$0x3F9F]  }
0x1a: {  	s8 =	sadd.s32 $0xFFFFE003, lr  }
0x1b: {  	s9 =	sadd.s32 $0xFFFFFEF7, lr;
	s5 =	simm.s32 $0xFFFFFFFF;
	p2 =	slt.u32 s8, $0xFFFFF086  }
0x1c: {  	p1 =	slt.u32 s9, $0xF7A;
	s5 =	simm.s32 @!p2 $0x0  }
0x1d: {  	s5 =	simm.s32 @p1 $0x1;
	p0 =	seq.s32 s7, s2  }
0x1e: {  	s7 =	smul.u32 @!p0 $0xF7A, s2;
	p2 =	seq.s32 @!p0 s5, $0x0  }
0x1f: {  	s9 =	smul.u32 $0xF7A, s1;
	s8 =	simm.s32 @!p0 $0x1BF5;
	p2 =	por !p2, p0  }
0x20: {  	[sflag:s8] =	ssyncset.s32 @!p0 $0xFFFFF086;
	s6 =	sadd.s32 @!p0 s3, s7;
	s7 =	simm.s32 @!p0 $0x108  }
0x21: {  	s3 =	sadd.s32 s3, s9;
	s6 =	sadd.s32 @!p0 $0x88, s6;
	s7 =	simm.s32 @p2 $0x1082  }
0x22: {  	[simem:s7], [sflag:s8] =	dma.local @!p0 [hbm:s6], $0xF7A  }
0x23: {  	s9 =	sor.u32 $0xD0000000, s2;
	s6 =	simm.s32 $0x108;
	_ =	swait.ge @!p0 [sflag:s8], $0x0  }
0x24: {  	s3 =	sadd.s32 $0x88, s3;
	s6 =	simm.s32 @!p1 $0x1082;
	[sflag:s4] =	ssyncset.s32 $0xFFFFF086  }
0x25: {  	[simem:s6], [sflag:s4] =	dma.local [hbm:s3], $0xF7A  }
0x26: {  	[smem:$0x3F9F] =	sst s1;
	(tag) =	ssettag s2;
	_ =	strace s9  }
0x27: {  	s1 =	sld [smem:$0x3FAF]  }
0x28: {  	s2 =	sld [smem:$0x3FB0]  }
0x29: {  	s4 =	sld [smem:$0x3FB2]  }
0x2a: {  	p0 =	seq.s32 s5, $0x0;
	s5 =	sld [smem:$0x3FB3]  }
0x2b: {  	s6 =	sld [smem:$0x3FB4]  }
0x2c: {  	s7 =	sld [smem:$0x3FB5]  }
0x2d: {  	s3 =	simm.s32 $0x108;
	s8 =	sld [smem:$0x3FB6]  }
0x2e: {  	s3 =	simm.s32 @!p0 $0x1082;
	s9 =	sld [smem:$0x3FB7]  }
0x2f: {  	lr =	sadd.s32 s0, s3;
	s0 =	sld [smem:$0x3FAE]  }
0x30: {  	s3 =	sld [smem:$0x3FB1]  }
0x31: {  	[smem:$0x3FBA] =	sst s10  }
0x32: {  	s10 =	sld [smem:$0x3FB8];
	_ =	sdelay $0x3  }
0x33: {  	p0 =	seq.s32 s10, $0x1;
	s10 =	sld [smem:$0x3FBA];
	_ =	sdelay $0x3  }
0x34: {  	[smem:$0x3FBA] =	sst s10  }
0x35: {  	s10 =	sld [smem:$0x3FB9];
	_ =	sdelay $0x3  }
0x36: {  	p1 =	seq.s32 s10, $0x1;
	s10 =	sld [smem:$0x3FBA];
	_ =	sdelay $0x3  }
0x37: {  	[smem:$0x3FBA] =	sst s10  }
0x38: {  	s10 =	sld [smem:$0x3FBB]  }
0x39: {  	_ = 	snop;
	(pc) =	sbr.ind lr, $3  }
0x3a: {  	_ = 	snop  }
0x3b: {  	_ = 	snop  }
0x3c: {  	p2 =	seq.s32 s10, $0x1;
	s10 =	sld [smem:$0x3FBA]  }
0x3d: {  	_ =	shalt  }
0x3e: {  	_ =	shalt  }
0x3f: {  	_ =	shalt  }
0x40: {  	_ =	shalt  }
0x41: {  	_ =	shalt  }
0x42: {  	_ =	shalt  }
0x43: {  	_ =	shalt  }
0x44: {  	_ =	shalt  }
0x45: {  	_ =	shalt  }
0x46: {  	_ =	shalt  }
0x47: {  	_ =	shalt  }
0x48: {  	_ =	shalt  }
0x49: {  	_ =	shalt  }
0x4a: {  	_ =	shalt  }
0x4b: {  	_ =	shalt  }
0x4c: {  	_ =	shalt  }
0x4d: {  	_ =	shalt  }
0x4e: {  	_ =	shalt  }
0x4f: {  	_ =	shalt  }
0x50: {  	_ =	shalt  }
0x51: {  	_ =	shalt  }
0x52: {  	_ =	shalt  }
0x53: {  	_ =	shalt  }
0x54: {  	_ =	shalt  }
0x55: {  	_ =	shalt  }
0x56: {  	_ =	shalt  }
0x57: {  	_ =	shalt  }
0x58: {  	_ =	shalt  }
0x59: {  	_ =	shalt  }
0x5a: {  	_ =	shalt  }
0x5b: {  	_ =	shalt  }
0x5c: {  	_ =	shalt  }
0x5d: {  	_ =	shalt  }
0x5e: {  	_ =	shalt  }
0x5f: {  	_ =	shalt  }
0x60: {  	_ =	shalt  }
0x61: {  	_ =	shalt  }
0x62: {  	_ =	shalt  }
0x63: {  	_ =	shalt  }
0x64: {  	_ =	shalt  }
0x65: {  	_ =	shalt  }
0x66: {  	_ =	shalt  }
0x67: {  	_ =	shalt  }
0x68: {  	_ =	shalt  }
0x69: {  	_ =	shalt  }
0x6a: {  	_ =	shalt  }
0x6b: {  	_ =	shalt  }
0x6c: {  	_ =	shalt  }
0x6d: {  	_ =	shalt  }
0x6e: {  	_ =	shalt  }
0x6f: {  	_ =	shalt  }
0x70: {  	_ =	shalt  }
0x71: {  	_ =	shalt  }
0x72: {  	_ =	shalt  }
0x73: {  	_ =	shalt  }
0x74: {  	_ =	shalt  }
0x75: {  	_ =	shalt  }
0x76: {  	_ =	shalt  }
0x77: {  	_ =	shalt  }
0x78: {  	_ =	shalt  }
0x79: {  	_ =	shalt  }
0x7a: {  	_ =	shalt  }
0x7b: {  	_ =	shalt  }
0x7c: {  	_ =	shalt  }
0x7d: {  	_ =	shalt  }
0x7e: {  	_ =	shalt  }
0x7f: {  	_ =	shalt  }
0x80: {  	_ =	shalt  }
0x81: {  	_ =	shalt  }
0x82: {  	_ =	shalt  }
0x83: {  	_ =	shalt  }
0x84: {  	_ =	shalt  }
0x85: {  	_ =	shalt  }
0x86: {  	_ =	shalt  }
0x87: {  	_ =	shalt  }
.Lfunc_end0:
.L_simem_size_0:
called_computation_lowered:
.L_overlay_start_0:
0x88: {  	s2 =	sld [smem:$0x3FD9]  }
0x89: {  	s3 =	sld [smem:$0x3FFE];
	_ =	sdelay $0x1  }
0x8a: {  	s1 =	srdreg.scid  }
0x8b: {  	s0 =	sand.u32 $0x1, s1  }
0x8c: {  	s18 =	sshll.u32 s0, $0xA;
	s2 =	sadd.s32 s3, s2  }
0x8d: {  	s2 =	sadd.s32 s2, s18  }
0x8e: {  	[smem:$0x3FC6] =	sst s2  }
0x8f: {  	_ = 	snop  }
0x90: {  	s2 =	sld [smem:$0x3FC9]  }
0x91: {  	s19 =	sld [smem:$0x3FC8]  }
0x92: {  	s4 =	sld [smem:$0x3FD0];
	(tm) =	ssettm $0x1  }
0x93: {  	s5 =	sld [smem:$0x3FFB];
	_ =	sdelay $0x3  }
0x94: {  	_ =	strace s5  }
0x95: {  	s5 =	sld [smem:$0x3FFC];
	_ =	sdelay $0x3  }
0x96: {  	_ =	strace s5  }
0x97: {  	s5 =	sld [smem:$0x3FFD];
	_ =	sdelay $0x3  }
0x98: {  	_ =	strace s5  }
0x99: {  	_ =	strace $0x8FFFFFFF  }
0x9a: {  	s20 =	sld [smem:$0x3FDB];
	_ =	sdelay $0x1  }
0x9b: {  	s6 =	simm.s32 $_scs_section_size  }
0x9c: {  	s7 =	simm.s32 $_size__tile_overlayer_lowered;
	s8 =	simm.s32 $_tile_overlayer_lowered  }
0x9d: {  	s23 =	simm.s32 $0x1BFF;
	s22 =	sshll.u32 s8, $0x1;
	s5 =	sadd.s32 s6, s20  }
0x9e: {  	s9 =	simm.s32 $0x0;
	s21 =	sshll.u32 s7, $0x1;
	s7 =	sadd.s32 s22, s5  }
0x9f: {  	[timem:s9], [sflag:s23] =	dma.local [hbm:s7], s21  }
0xa0: {  	_ =	swait.ge [sflag:s23], s21  }
0xa1: {  	s6 =	ssub.s32 $0x0, s21;
	[sflag:s23] =	ssyncset.done $0x0  }
0xa2: {  	[sflag:s23] =	ssyncadd.s32 s6;
	_ =	sdelay $0x1  }
0xa3: {  	s24 =	simm.s32 $0x1B8B  }
0xa4: {  	_ =	swait.ge [sflag:s24], $0x1  }
0xa5: {  	[sflag:s24] =	ssyncset.done $0x0  }
0xa6: {  	s25 =	simm.s32 $0x1B8E;
	[sflag:s24] =	ssyncadd.s32 $0xFFFFFFFF  }
0xa7: {  	s26 =	simm.s32 $execute0_lowered;
	[smem:$0x3FD2] =	sst s25  }
0xa8: {  	s6 =	sshll.u32 s26, $0x1;
	_ =	strace $0x80000046;
	[dreg:$0x1] =	wrdreg $0xFFFFFFFF  }
0xa9: {  	s28 =	simm.s32 $_size_execute0_lowered;
	s5 =	sadd.s32 s5, s6;
	[dreg:$0x0] =	wrdreg $0x0  }
0xaa: {  	s6 =	sshll.u32 s28, $0x1;
	[dreg:$0x2] =	wrdreg s5  }
0xab: {  	[dreg:$0x3] =	wrdreg s6  }
0xac: {  	[dreg:$0x4] =	wrdreg $0xC0  }
0xad: {  	_ =	task [dreg:s9], $0x5FFFF  }
0xae: {  	[dreg:$0x1] =	wrdreg $0xFFFFFFFF  }
0xaf: {  	[dreg:$0x0] =	wrdreg $0x60  }
0xb0: {  	[dreg:$0x2] =	wrdreg s2  }
0xb1: {  	[dreg:$0x3] =	wrdreg s19  }
0xb2: {  	[dreg:$0x4] =	wrdreg s4  }
0xb3: {  	[dreg:$0x5] =	wrdreg $0x9  }
0xb4: {  	_ =	task.clear_ibuf [dreg:s9], $0x6FFFF;
	_ =	strace $0x90000046  }
0xb5: {  	s29 =	simm.s32 $0x9;
	_ =	strace $0x80000048  }
0xb6: {  	_ =	swait.ge [sflag:s29], $0x1  }
0xb7: {  	[sflag:s29] =	ssyncadd.s32 $0xFFFFFFFF  }
0xb8: {  	_ =	strace $0x90000048  }
0xb9: {  	_ =	sfence  }
0xba: {  	s30 =	sld [smem:$0x0];
	_ =	sdelay $0x2  }
0xbb: {  	s31 =	sshll.u32 s1, $0xD;
	s1 =	sshrl.u32 s1, $0x2  }
0xbc: {  	s3 =	sand.u32 $0x4000, s31;
	s1 =	sadd.s32 s1, s30  }
0xbd: {  	s0 =	sor.u32 s3, s0;
	s1 =	sshll.u32 s1, $0x11  }
0xbe: {  	s0 =	sor.u32 s1, s0  }
0xbf: {  	s0 =	sadd.s32 $0x8F2B, s0  }
0xc0: {  	[sflag:s0] =	ssyncadd.remote.s32 $0x1  }
0xc1: {  	_ =	sfence.sel $0xFFFF  }
0xc2: {  	[dreg:$0x0] =	wrdreg $0xFFFFFFFF;
	(pc) =	sbr.abs _section_cstart, $3  }
0xc3: {  	[dreg:$0x1] =	wrdreg $0xFFFFFFFF  }
0xc4: {  	_ =	task.clear_ibuf [dreg:s9], $0x2FFFF;
	_ =	strace $0x9FFFFFFF  }
0xc5: {  	(tm) =	ssettm $0x7FFFFFFF  }
tec
execute0_lowered:
.L_overlay_start_1:
0x0: {  	(tag) =	ssettag $0x1  }
0x1: {  	s1 =	rddreg [dreg:$0x0]  }
0x2: {  	s0 =	rddreg [dreg:$0x1]  }
0x3: {  	s2 =	srdreg.scid;
	s3 =	rddreg [dreg:$0x2]  }
0x4: {  	[dreg:$0x4] =	wrdreg s0;
	s4 =	sand.u32 $0x1, s2;
	s2 =	simm.s32 $0x0  }
0x5: {  	s16 =	simm.s32 $0x900;
	[smem:$0x7FF] =	sst s2  }
0x6: {  	s17 =	simm.s32 $0x1100;
	_ =	strace $0x80000047;
	[dreg:$0x6] =	wrdreg s16  }
0x7: {  	s18 =	simm.s32 $0x1900;
	[dreg:$0x7] =	wrdreg s17  }
0x8: {  	s19 =	simm.s32 $0x2100;
	[dreg:$0x8] =	wrdreg s18  }
0x9: {  	s20 =	simm.s32 $0x2900;
	[dreg:$0x9] =	wrdreg s19  }
0xa: {  	s21 =	simm.s32 $0x3100;
	[dreg:$0xa] =	wrdreg s20  }
0xb: {  	s22 =	simm.s32 $0x3900;
	[dreg:$0xb] =	wrdreg s21  }
0xc: {  	s23 =	simm.s32 $0x4100;
	[dreg:$0xc] =	wrdreg s22  }
0xd: {  	s24 =	simm.s32 $0x4900;
	[dreg:$0xd] =	wrdreg s23  }
0xe: {  	s25 =	simm.s32 $0x5100;
	[dreg:$0xe] =	wrdreg s24  }
0xf: {  	s26 =	simm.s32 $0x5900;
	[dreg:$0xf] =	wrdreg s25  }
0x10: {  	s0 =	simm.s32 $0x6100;
	[dreg:$0x10] =	wrdreg s26  }
0x11: {  	s14 =	stileid.u32;
	s7 =	simm.s32 $0x6900;
	[dreg:$0x11] =	wrdreg s0  }
0x12: {  	s8 =	simm.s32 $0x7100;
	s9 =	simm.s32 $0x7900;
	[dreg:$0x12] =	wrdreg s7  }
0x13: {  	s10 =	simm.s32 $0x8100;
	s11 =	simm.s32 $0x8900;
	[dreg:$0x13] =	wrdreg s8  }
0x14: {  	s12 =	simm.s32 $0x9100;
	s13 =	simm.s32 $0x9900;
	[dreg:$0x14] =	wrdreg s9  }
0x15: {  	s28 =	simm.s32 $0x1000;
	s29 =	simm.s32 $0x20000;
	[dreg:$0x15] =	wrdreg s10  }
0x16: {  	s30 =	simm.s32 $0x2;
	s31 =	simm.s32 $0x3;
	[dreg:$0x16] =	wrdreg s11  }
0x17: {  	s5 =	sshll.u32 s14, $0xA;
	s14 =	simm.s32 $0xA100;
	[dreg:$0x17] =	wrdreg s12  }
0x18: {  	s6 =	sshll.u32 s4, $0x9;
	s4 =	ssub.s32 $0x2, s4;
	[dreg:$0x18] =	wrdreg s13  }
0x19: {  	s5 =	sor.u32 s6, s5;
	[dreg:$0x19] =	wrdreg s14;
	s16 =	simm.s32 $0xB100  }
0x1a: {  	s17 =	simm.s32 $0xB900;
	s18 =	simm.s32 $0xC100;
	[dreg:$0x1b] =	wrdreg s16  }
0x1b: {  	s19 =	simm.s32 $0xC900;
	s7 =	sshrl.u32 s4, $0x1;
	[dreg:$0x1c] =	wrdreg s17  }
0x1c: {  	s20 =	simm.s32 $0xD900;
	s21 =	simm.s32 $0xE100;
	[dreg:$0x1d] =	wrdreg s18  }
0x1d: {  	s22 =	simm.s32 $0xE900;
	s23 =	simm.s32 $0xF100;
	[dreg:$0x1e] =	wrdreg s19  }
0x1e: {  	s6 =	simm.s32 $0x5;
	s24 =	simm.s32 $0xF900;
	[dreg:$0x1f] =	wrdreg s20  }
0x1f: {  	s25 =	simm.s32 $0x10100;
	s26 =	simm.s32 $0x10900;
	[smem:$0x7F8] =	sst s21  }
0x20: {  	s9 =	simm.s32 $0xD100;
	s11 =	simm.s32 $0x11900;
	[smem:$0x7F9] =	sst s22  }
0x21: {  	s12 =	simm.s32 $0x12100;
	s13 =	simm.s32 $0x12900;
	[smem:$0x7FA] =	sst s23  }
0x22: {  	s14 =	simm.s32 $0x13100;
	s3 =	sadd.s32 s3, s5;
	[smem:$0x7FB] =	sst s24  }
0x23: {  	s7 =	ssub.s32 s4, s7;
	s4 =	sadd.s32 s1, s5;
	[smem:$0x7FC] =	sst s25  }
0x24: {  	[smem:$0x7FD] =	sst s26;
	s16 =	simm.s32 $0x14100;
	s17 =	simm.s32 $0x14900  }
0x25: {  	s18 =	simm.s32 $0x15100;
	s19 =	simm.s32 $0x15900;
	s20 =	simm.s32 $0x16100  }
0x26: {  	s21 =	simm.s32 $0x16900;
	s22 =	simm.s32 $0x17100;
	s23 =	simm.s32 $0x17900  }
0x27: {  	s24 =	simm.s32 $0x18100;
	s25 =	simm.s32 $0x18900;
	s26 =	simm.s32 $0x1  }
0x28: {  	v2 =	vlaneseq.u32;
	s1 =	simm.s32 $0x4;
	s15 =	sadd.s32 $0x34000, s3;
	s5 =	smax.u32 s7, $0x1  }
0x29: {  	vm0 =	vmmov $0xffff;
	v1 =	vshrl.u32 v2, $0x3;
	s7 =	simm.s32 $0x100;
	[dreg:$0x5] =	wrdreg s15;
	s15 =	simm.s32 $0xA900  }
0x2a: {  	v0 =	vand.u32 $0x7, v2;
	v2 =	vor.u32 $0x8, v2;
	v1 =	vmul.u32 $0x8, v1;
	s8 =	sadd.s32 $0x100, s4;
	[dreg:$0x1a] =	wrdreg s15;
	s15 =	simm.s32 $0x13900  }
.LBB2_1:
0x2b: {  	s0 =	rddreg [dreg:$0x4]  }
0x2c: {  	[tilespmem:s2], [sflag:$0x5] =	stream.linear.gather [hbm4b:s0+s2], $0x100, $0x38;
	[tilespmem:$0x19100] =	vst v63  }
0x2d: {  	_ =	swait.ge [sflag:s6], $0x100  }
0x2e: {  	[sflag:s6] =	ssyncset.done $0x0  }
0x2f: {  	[sflag:s6] =	ssyncadd.s32 $0xFFFFFF00  }
0x30: {  	v3 =	vld [tilespmem:$0x0];
	_ =	sdelay $0x4  }
0x31: {  	v4 =	vshll.u32 v3, $0x7  }
0x32: {  	v3 =	vand.u32 $0x7, v3;
	v4 =	vand.u32 $0xFFFFFC00, v4  }
0x33: {  	v3 =	vor.u32 v3, v4  }
0x34: {  	v4 =	vperm.xlane v3, v0;
	_ =	sdelay $0x1  }
0x35: {  	v4 =	vadd.s32 v1, v4;
	_ =	sdelay $0x1  }
0x36: {  	v3 =	vperm.xlane v3, v2;
	_ =	sdelay $0x1  }
0x37: {  	v3 =	vadd.s32 v1, v3  }
0x38: {  	[tilespmem:s7], [sflag:$0x1] =	stream.indirect_vreg.gather [hbm4b:s4+s2], $0x80, v4, vm0, $0xb8;
	[tilespmem:$0x19100] =	vst v63  }
0x39: {  	s0 =	rddreg [dreg:$0x6]  }
0x3a: {  	[tilespmem:s0], [sflag:$0x1] =	stream.indirect_vreg.gather [hbm4b:s8+s2], $0x80, v4, vm0, $0xb8;
	[tilespmem:$0x19100] =	vst v63  }
0x3b: {  	s10 =	rddreg [dreg:$0x7]  }
0x3c: {  	[tilespmem:s10], [sflag:$0x1] =	stream.indirect_vreg.gather [hbm4b:s4+s2], $0x80, v3, vm0, $0xb8;
	[tilespmem:$0x19100] =	vst v63  }
0x3d: {  	s0 =	rddreg [dreg:$0x8]  }
0x3e: {  	[tilespmem:s0], [sflag:$0x1] =	stream.indirect_vreg.gather [hbm4b:s8+s2], $0x80, v3, vm0, $0xb8;
	[tilespmem:$0x19100] =	vst v63  }
0x3f: {  	v3 =	vld [tilespmem:$0x10];
	_ =	sdelay $0x4  }
0x40: {  	v52 =	vshll.u32 v3, $0x7  }
0x41: {  	v3 =	vand.u32 $0x7, v3;
	v4 =	vand.u32 $0xFFFFFC00, v52  }
0x42: {  	v3 =	vor.u32 v3, v4  }
0x43: {  	v4 =	vperm.xlane v3, v0;
	_ =	sdelay $0x1  }
0x44: {  	v4 =	vadd.s32 v1, v4;
	_ =	sdelay $0x1  }
0x45: {  	v3 =	vperm.xlane v3, v2;
	_ =	sdelay $0x1  }
0x46: {  	s0 =	rddreg [dreg:$0x9];
	v3 =	vadd.s32 v1, v3  }
0x47: {  	[tilespmem:s0], [sflag:$0x1] =	stream.indirect_vreg.gather [hbm4b:s4+s2], $0x80, v4, vm0, $0xb8;
	[tilespmem:$0x19100] =	vst v63  }
0x48: {  	s10 =	rddreg [dreg:$0xa]  }
0x49: {  	[tilespmem:s10], [sflag:$0x1] =	stream.indirect_vreg.gather [hbm4b:s8+s2], $0x80, v4, vm0, $0xb8;
	[tilespmem:$0x19100] =	vst v63  }
0x4a: {  	s0 =	rddreg [dreg:$0xb]  }
0x4b: {  	[tilespmem:s0], [sflag:$0x1] =	stream.indirect_vreg.gather [hbm4b:s4+s2], $0x80, v3, vm0, $0xb8;
	[tilespmem:$0x19100] =	vst v63  }
0x4c: {  	s10 =	rddreg [dreg:$0xc]  }
0x4d: {  	[tilespmem:s10], [sflag:$0x1] =	stream.indirect_vreg.gather [hbm4b:s8+s2], $0x80, v3, vm0, $0xb8;
	[tilespmem:$0x19100] =	vst v63  }
0x4e: {  	v3 =	vld [tilespmem:$0x20];
	_ =	sdelay $0x4  }
0x4f: {  	v53 =	vshll.u32 v3, $0x7  }
0x50: {  	v3 =	vand.u32 $0x7, v3;
	v4 =	vand.u32 $0xFFFFFC00, v53  }
0x51: {  	v3 =	vor.u32 v3, v4  }
0x52: {  	v4 =	vperm.xlane v3, v0;
	_ =	sdelay $0x1  }
0x53: {  	v4 =	vadd.s32 v1, v4;
	_ =	sdelay $0x1  }
0x54: {  	v3 =	vperm.xlane v3, v2;
	_ =	sdelay $0x1  }
0x55: {  	s0 =	rddreg [dreg:$0xd];
	v3 =	vadd.s32 v1, v3  }
0x56: {  	[tilespmem:s0], [sflag:$0x1] =	stream.indirect_vreg.gather [hbm4b:s4+s2], $0x80, v4, vm0, $0xb8;
	[tilespmem:$0x19100] =	vst v63  }
0x57: {  	s10 =	rddreg [dreg:$0xe]  }
0x58: {  	[tilespmem:s10], [sflag:$0x1] =	stream.indirect_vreg.gather [hbm4b:s8+s2], $0x80, v4, vm0, $0xb8;
	[tilespmem:$0x19100] =	vst v63  }
0x59: {  	s0 =	rddreg [dreg:$0xf]  }
0x5a: {  	[tilespmem:s0], [sflag:$0x1] =	stream.indirect_vreg.gather [hbm4b:s4+s2], $0x80, v3, vm0, $0xb8;
	[tilespmem:$0x19100] =	vst v63  }
0x5b: {  	s10 =	rddreg [dreg:$0x10]  }
0x5c: {  	[tilespmem:s10], [sflag:$0x1] =	stream.indirect_vreg.gather [hbm4b:s8+s2], $0x80, v3, vm0, $0xb8;
	[tilespmem:$0x19100] =	vst v63  }
0x5d: {  	v3 =	vld [tilespmem:$0x30];
	_ =	sdelay $0x4  }
0x5e: {  	v54 =	vshll.u32 v3, $0x7  }
0x5f: {  	v3 =	vand.u32 $0x7, v3;
	v4 =	vand.u32 $0xFFFFFC00, v54  }
0x60: {  	v3 =	vor.u32 v3, v4  }
0x61: {  	v4 =	vperm.xlane v3, v0;
	_ =	sdelay $0x1  }
0x62: {  	v4 =	vadd.s32 v1, v4;
	_ =	sdelay $0x1  }
0x63: {  	v3 =	vperm.xlane v3, v2;
	_ =	sdelay $0x1  }
0x64: {  	s0 =	rddreg [dreg:$0x11];
	v3 =	vadd.s32 v1, v3  }
0x65: {  	[tilespmem:s0], [sflag:$0x1] =	stream.indirect_vreg.gather [hbm4b:s4+s2], $0x80, v4, vm0, $0xb8;
	[tilespmem:$0x19100] =	vst v63  }
0x66: {  	s10 =	rddreg [dreg:$0x12]  }
0x67: {  	[tilespmem:s10], [sflag:$0x1] =	stream.indirect_vreg.gather [hbm4b:s8+s2], $0x80, v4, vm0, $0xb8;
	[tilespmem:$0x19100] =	vst v63  }
0x68: {  	s0 =	rddreg [dreg:$0x13]  }
0x69: {  	[tilespmem:s0], [sflag:$0x1] =	stream.indirect_vreg.gather [hbm4b:s4+s2], $0x80, v3, vm0, $0xb8;
	[tilespmem:$0x19100] =	vst v63  }
0x6a: {  	s10 =	rddreg [dreg:$0x14]  }
0x6b: {  	[tilespmem:s10], [sflag:$0x1] =	stream.indirect_vreg.gather [hbm4b:s8+s2], $0x80, v3, vm0, $0xb8;
	[tilespmem:$0x19100] =	vst v63  }
0x6c: {  	v3 =	vld [tilespmem:$0x40];
	_ =	sdelay $0x4  }
0x6d: {  	v55 =	vshll.u32 v3, $0x7  }
0x6e: {  	v3 =	vand.u32 $0x7, v3;
	v4 =	vand.u32 $0xFFFFFC00, v55  }
0x6f: {  	v3 =	vor.u32 v3, v4  }
0x70: {  	v4 =	vperm.xlane v3, v0;
	_ =	sdelay $0x1  }
0x71: {  	v4 =	vadd.s32 v1, v4;
	_ =	sdelay $0x1  }
0x72: {  	v3 =	vperm.xlane v3, v2;
	_ =	sdelay $0x1  }
0x73: {  	s0 =	rddreg [dreg:$0x15];
	v3 =	vadd.s32 v1, v3  }
0x74: {  	[tilespmem:s0], [sflag:$0x1] =	stream.indirect_vreg.gather [hbm4b:s4+s2], $0x80, v4, vm0, $0xb8;
	[tilespmem:$0x19100] =	vst v63  }
0x75: {  	s10 =	rddreg [dreg:$0x16]  }
0x76: {  	[tilespmem:s10], [sflag:$0x1] =	stream.indirect_vreg.gather [hbm4b:s8+s2], $0x80, v4, vm0, $0xb8;
	[tilespmem:$0x19100] =	vst v63  }
0x77: {  	s0 =	rddreg [dreg:$0x17]  }
0x78: {  	[tilespmem:s0], [sflag:$0x1] =	stream.indirect_vreg.gather [hbm4b:s4+s2], $0x80, v3, vm0, $0xb8;
	[tilespmem:$0x19100] =	vst v63  }
0x79: {  	s10 =	rddreg [dreg:$0x18]  }
0x7a: {  	[tilespmem:s10], [sflag:$0x1] =	stream.indirect_vreg.gather [hbm4b:s8+s2], $0x80, v3, vm0, $0xb8;
	[tilespmem:$0x19100] =	vst v63  }
0x7b: {  	v3 =	vld [tilespmem:$0x50];
	_ =	sdelay $0x4  }
0x7c: {  	v56 =	vshll.u32 v3, $0x7  }
0x7d: {  	v3 =	vand.u32 $0x7, v3;
	v4 =	vand.u32 $0xFFFFFC00, v56  }
0x7e: {  	v3 =	vor.u32 v3, v4  }
0x7f: {  	v4 =	vperm.xlane v3, v0;
	_ =	sdelay $0x1  }
0x80: {  	v4 =	vadd.s32 v1, v4;
	_ =	sdelay $0x1  }
0x81: {  	v3 =	vperm.xlane v3, v2;
	_ =	sdelay $0x1  }
0x82: {  	s0 =	rddreg [dreg:$0x19];
	v3 =	vadd.s32 v1, v3  }
0x83: {  	[tilespmem:s0], [sflag:$0x1] =	stream.indirect_vreg.gather [hbm4b:s4+s2], $0x80, v4, vm0, $0xb8;
	[tilespmem:$0x19100] =	vst v63  }
0x84: {  	s10 =	rddreg [dreg:$0x1a]  }
0x85: {  	[tilespmem:s10], [sflag:$0x1] =	stream.indirect_vreg.gather [hbm4b:s8+s2], $0x80, v4, vm0, $0xb8;
	[tilespmem:$0x19100] =	vst v63  }
0x86: {  	s0 =	rddreg [dreg:$0x1b]  }
0x87: {  	[tilespmem:s0], [sflag:$0x1] =	stream.indirect_vreg.gather [hbm4b:s4+s2], $0x80, v3, vm0, $0xb8;
	[tilespmem:$0x19100] =	vst v63  }
0x88: {  	s10 =	rddreg [dreg:$0x1c]  }
0x89: {  	[tilespmem:s10], [sflag:$0x1] =	stream.indirect_vreg.gather [hbm4b:s8+s2], $0x80, v3, vm0, $0xb8;
	[tilespmem:$0x19100] =	vst v63  }
0x8a: {  	v3 =	vld.msk [tilespmem:$0x60], $0xff;
	_ =	sdelay $0x4  }
0x8b: {  	v57 =	vshll.u32 v3, $0x7  }
0x8c: {  	v3 =	vand.u32 $0x7, v3;
	v4 =	vand.u32 $0xFFFFFC00, v57  }
0x8d: {  	v3 =	vor.u32 v3, v4  }
0x8e: {  	v3 =	vperm.xlane v3, v0;
	_ =	sdelay $0x1  }
0x8f: {  	v3 =	vadd.s32 v1, v3;
	_ =	sdelay $0x3  }
0x90: {  	s0 =	rddreg [dreg:$0x1d]  }
0x91: {  	[tilespmem:s0], [sflag:$0x1] =	stream.indirect_vreg.gather [hbm4b:s4+s2], $0x80, v3, vm0, $0xb8;
	[tilespmem:$0x19100] =	vst v63  }
0x92: {  	s10 =	rddreg [dreg:$0x1e]  }
0x93: {  	[tilespmem:s10], [sflag:$0x1] =	stream.indirect_vreg.gather [hbm4b:s8+s2], $0x80, v3, vm0, $0xb8;
	[tilespmem:$0x19100] =	vst v63  }
0x94: {  	v3 =	vld [tilespmem:$0x68];
	_ =	sdelay $0x4  }
0x95: {  	v58 =	vshll.u32 v3, $0x7  }
0x96: {  	v3 =	vand.u32 $0x7, v3;
	v4 =	vand.u32 $0xFFFFFC00, v58  }
0x97: {  	v3 =	vor.u32 v3, v4  }
0x98: {  	v4 =	vperm.xlane v3, v0;
	_ =	sdelay $0x1  }
0x99: {  	v4 =	vadd.s32 v1, v4;
	_ =	sdelay $0x1  }
0x9a: {  	v3 =	vperm.xlane v3, v2;
	_ =	sdelay $0x1  }
0x9b: {  	s0 =	rddreg [dreg:$0x1f];
	v3 =	vadd.s32 v1, v3  }
0x9c: {  	[tilespmem:s9], [sflag:$0x2] =	stream.indirect_vreg.gather [hbm4b:s4+s2], $0x80, v4, vm0, $0xb8;
	[tilespmem:$0x19100] =	vst v63  }
0x9d: {  	s10 =	sld [smem:$0x7F8]  }
0x9e: {  	[tilespmem:s0], [sflag:$0x2] =	stream.indirect_vreg.gather [hbm4b:s8+s2], $0x80, v4, vm0, $0xb8;
	[tilespmem:$0x19100] =	vst v63  }
0x9f: {  	s0 =	sld [smem:$0x7F9]  }
0xa0: {  	[tilespmem:s10], [sflag:$0x2] =	stream.indirect_vreg.gather [hbm4b:s4+s2], $0x80, v3, vm0, $0xb8;
	[tilespmem:$0x19100] =	vst v63  }
0xa1: {  	_ = 	snop  }
0xa2: {  	[tilespmem:s0], [sflag:$0x2] =	stream.indirect_vreg.gather [hbm4b:s8+s2], $0x80, v3, vm0, $0xb8;
	[tilespmem:$0x19100] =	vst v63  }
0xa3: {  	v3 =	vld [tilespmem:$0x78];
	_ =	sdelay $0x4  }
0xa4: {  	v59 =	vshll.u32 v3, $0x7  }
0xa5: {  	v3 =	vand.u32 $0x7, v3;
	v4 =	vand.u32 $0xFFFFFC00, v59  }
0xa6: {  	v3 =	vor.u32 v3, v4  }
0xa7: {  	v4 =	vperm.xlane v3, v0;
	_ =	sdelay $0x1  }
0xa8: {  	v4 =	vadd.s32 v1, v4;
	_ =	sdelay $0x1  }
0xa9: {  	s0 =	sld [smem:$0x7FA];
	v3 =	vperm.xlane v3, v2;
	_ =	sdelay $0x1  }
0xaa: {  	s10 =	sld [smem:$0x7FB];
	v3 =	vadd.s32 v1, v3  }
0xab: {  	[tilespmem:s0], [sflag:$0x2] =	stream.indirect_vreg.gather [hbm4b:s4+s2], $0x80, v4, vm0, $0xb8;
	[tilespmem:$0x19100] =	vst v63  }
0xac: {  	s0 =	sld [smem:$0x7FC]  }
0xad: {  	[tilespmem:s10], [sflag:$0x2] =	stream.indirect_vreg.gather [hbm4b:s8+s2], $0x80, v4, vm0, $0xb8;
	[tilespmem:$0x19100] =	vst v63  }
0xae: {  	s10 =	sld [smem:$0x7FD]  }
0xaf: {  	[tilespmem:s0], [sflag:$0x2] =	stream.indirect_vreg.gather [hbm4b:s4+s2], $0x80, v3, vm0, $0xb8;
	[tilespmem:$0x19100] =	vst v63  }
0xb0: {  	_ = 	snop  }
0xb1: {  	[tilespmem:s10], [sflag:$0x2] =	stream.indirect_vreg.gather [hbm4b:s8+s2], $0x80, v3, vm0, $0xb8;
	[tilespmem:$0x19100] =	vst v63  }
0xb2: {  	v3 =	vld [tilespmem:$0x88];
	_ =	sdelay $0x4  }
0xb3: {  	v60 =	vshll.u32 v3, $0x7  }
0xb4: {  	v3 =	vand.u32 $0x7, v3;
	v4 =	vand.u32 $0xFFFFFC00, v60  }
0xb5: {  	v3 =	vor.u32 v3, v4  }
0xb6: {  	v4 =	vperm.xlane v3, v0;
	_ =	sdelay $0x1  }
0xb7: {  	v4 =	vadd.s32 v1, v4;
	_ =	sdelay $0x1  }
0xb8: {  	v3 =	vperm.xlane v3, v2;
	_ =	sdelay $0x1  }
0xb9: {  	s10 =	simm.s32 $0x11100;
	v3 =	vadd.s32 v1, v3  }
0xba: {  	[tilespmem:s10], [sflag:$0x2] =	stream.indirect_vreg.gather [hbm4b:s4+s2], $0x80, v4, vm0, $0xb8;
	[tilespmem:$0x19100] =	vst v63  }
0xbb: {  	_ = 	snop  }
0xbc: {  	[tilespmem:s11], [sflag:$0x2] =	stream.indirect_vreg.gather [hbm4b:s8+s2], $0x80, v4, vm0, $0xb8;
	[tilespmem:$0x19100] =	vst v63  }
0xbd: {  	_ = 	snop  }
0xbe: {  	[tilespmem:s12], [sflag:$0x2] =	stream.indirect_vreg.gather [hbm4b:s4+s2], $0x80, v3, vm0, $0xb8;
	[tilespmem:$0x19100] =	vst v63  }
0xbf: {  	_ = 	snop  }
0xc0: {  	[tilespmem:s13], [sflag:$0x2] =	stream.indirect_vreg.gather [hbm4b:s8+s2], $0x80, v3, vm0, $0xb8;
	[tilespmem:$0x19100] =	vst v63  }
0xc1: {  	v3 =	vld [tilespmem:$0x98];
	_ =	sdelay $0x4  }
0xc2: {  	v61 =	vshll.u32 v3, $0x7  }
0xc3: {  	v3 =	vand.u32 $0x7, v3;
	v4 =	vand.u32 $0xFFFFFC00, v61  }
0xc4: {  	v3 =	vor.u32 v3, v4  }
0xc5: {  	v4 =	vperm.xlane v3, v0;
	_ =	sdelay $0x1  }
0xc6: {  	v4 =	vadd.s32 v1, v4;
	_ =	sdelay $0x1  }
0xc7: {  	v3 =	vperm.xlane v3, v2;
	_ =	sdelay $0x1  }
0xc8: {  	v3 =	vadd.s32 v1, v3  }
0xc9: {  	[tilespmem:s14], [sflag:$0x2] =	stream.indirect_vreg.gather [hbm4b:s4+s2], $0x80, v4, vm0, $0xb8;
	[tilespmem:$0x19100] =	vst v63  }
0xca: {  	_ = 	snop  }
0xcb: {  	[tilespmem:s15], [sflag:$0x2] =	stream.indirect_vreg.gather [hbm4b:s8+s2], $0x80, v4, vm0, $0xb8;
	[tilespmem:$0x19100] =	vst v63  }
0xcc: {  	_ = 	snop  }
0xcd: {  	[tilespmem:s16], [sflag:$0x2] =	stream.indirect_vreg.gather [hbm4b:s4+s2], $0x80, v3, vm0, $0xb8;
	[tilespmem:$0x19100] =	vst v63  }
0xce: {  	_ = 	snop  }
0xcf: {  	[tilespmem:s17], [sflag:$0x2] =	stream.indirect_vreg.gather [hbm4b:s8+s2], $0x80, v3, vm0, $0xb8;
	[tilespmem:$0x19100] =	vst v63  }
0xd0: {  	v3 =	vld [tilespmem:$0xA8];
	_ =	sdelay $0x4  }
0xd1: {  	v62 =	vshll.u32 v3, $0x7  }
0xd2: {  	v3 =	vand.u32 $0x7, v3;
	v4 =	vand.u32 $0xFFFFFC00, v62  }
0xd3: {  	v3 =	vor.u32 v3, v4  }
0xd4: {  	v4 =	vperm.xlane v3, v0;
	_ =	sdelay $0x1  }
0xd5: {  	v4 =	vadd.s32 v1, v4;
	_ =	sdelay $0x1  }
0xd6: {  	v3 =	vperm.xlane v3, v2;
	_ =	sdelay $0x1  }
0xd7: {  	v3 =	vadd.s32 v1, v3  }
0xd8: {  	[tilespmem:s18], [sflag:$0x2] =	stream.indirect_vreg.gather [hbm4b:s4+s2], $0x80, v4, vm0, $0xb8;
	[tilespmem:$0x19100] =	vst v63  }
0xd9: {  	_ = 	snop  }
0xda: {  	[tilespmem:s19], [sflag:$0x2] =	stream.indirect_vreg.gather [hbm4b:s8+s2], $0x80, v4, vm0, $0xb8;
	[tilespmem:$0x19100] =	vst v63  }
0xdb: {  	_ = 	snop  }
0xdc: {  	[tilespmem:s20], [sflag:$0x2] =	stream.indirect_vreg.gather [hbm4b:s4+s2], $0x80, v3, vm0, $0xb8;
	[tilespmem:$0x19100] =	vst v63  }
0xdd: {  	_ = 	snop  }
0xde: {  	[tilespmem:s21], [sflag:$0x2] =	stream.indirect_vreg.gather [hbm4b:s8+s2], $0x80, v3, vm0, $0xb8;
	[tilespmem:$0x19100] =	vst v63  }
0xdf: {  	v3 =	vld [tilespmem:$0xB8];
	_ =	sdelay $0x4  }
0xe0: {  	v63 =	vshll.u32 v3, $0x7  }
0xe1: {  	v3 =	vand.u32 $0x7, v3;
	v4 =	vand.u32 $0xFFFFFC00, v63  }
0xe2: {  	v3 =	vor.u32 v3, v4  }
0xe3: {  	v4 =	vperm.xlane v3, v0;
	_ =	sdelay $0x1  }
0xe4: {  	v4 =	vadd.s32 v1, v4;
	_ =	sdelay $0x1  }
0xe5: {  	v3 =	vperm.xlane v3, v2;
	_ =	sdelay $0x1  }
0xe6: {  	v3 =	vadd.s32 v1, v3  }
0xe7: {  	[tilespmem:s22], [sflag:$0x2] =	stream.indirect_vreg.gather [hbm4b:s4+s2], $0x80, v4, vm0, $0xb8;
	[tilespmem:$0x19100] =	vst v63  }
0xe8: {  	_ = 	snop  }
0xe9: {  	[tilespmem:s23], [sflag:$0x2] =	stream.indirect_vreg.gather [hbm4b:s8+s2], $0x80, v4, vm0, $0xb8;
	[tilespmem:$0x19100] =	vst v63  }
0xea: {  	_ = 	snop  }
0xeb: {  	[tilespmem:s24], [sflag:$0x2] =	stream.indirect_vreg.gather [hbm4b:s4+s2], $0x80, v3, vm0, $0xb8;
	[tilespmem:$0x19100] =	vst v63  }
0xec: {  	_ = 	snop  }
0xed: {  	[tilespmem:s25], [sflag:$0x2] =	stream.indirect_vreg.gather [hbm4b:s8+s2], $0x80, v3, vm0, $0xb8;
	[tilespmem:$0x19100] =	vst v63  }
0xee: {  	_ =	swait.ge [sflag:s26], $0xD000  }
0xef: {  	[sflag:s26] =	ssyncset.done $0x0  }
0xf0: {  	[sflag:s26] =	ssyncadd.s32 $0xFFFF3000  }
0xf1: {  	[hbm4b:s3+s28] =	stream.strided.scatter [tilespmem:s7], [sflag:$0x3], $0xD000, s29, s28, $0x38;
	[tilespmem:$0x19100] =	vst v63  }
0xf2: {  	_ =	swait.ge [sflag:s30], $0xC000  }
0xf3: {  	[sflag:s30] =	ssyncset.done $0x0  }
0xf4: {  	s10 =	rddreg [dreg:$0x5];
	[sflag:s30] =	ssyncadd.s32 $0xFFFF4000  }
0xf5: {  	[hbm4b:s10+s28] =	stream.strided.scatter [tilespmem:s9], [sflag:$0x4], $0xC000, s29, s28, $0x38;
	[tilespmem:$0x19100] =	vst v63  }
0xf6: {  	p0 =	sne.s32 s5, $0x1;
	_ =	swait.ge [sflag:s31], $0xD000  }
.Ltmp0:
0xf7: {  	[sflag:s31] =	ssyncset.done $0x0;
	(pc) =	sbr.rel @p0 .LBB2_1-.Ltmp0, $4  }
0xf8: {  	[sflag:s31] =	ssyncadd.s32 $0xFFFF3000  }
0xf9: {  	_ =	swait.ge [sflag:s1], $0xC000  }
0xfa: {  	[sflag:s1] =	ssyncset.done $0x0  }
0xfb: {  	s5 =	sadd.s32 $0xFFFFFFFF, s5;
	[sflag:s1] =	ssyncadd.s32 $0xFFFF4000  }
0xfc: {  	_ =	sfence.sel $0x180000  }
0xfd: {  	[bflag:$0x0] =	sbarrier.arrive $0xFFFF  }
0xfe: {  	_ =	strace $0x90000047  }
0xff: {  	s0 =	stileid.u32;
	[bflag:$0x2] =	sbarrier.arrive $0xFFFF  }
0x100: {  	p0 =	sne.s32 s0, $0x0;
	s0 =	rddreg [dreg:$0x3]  }
0x101: {  	s0 =	sadd.s32 @!p0 $0x100000, s0  }
0x102: {  	[sflag:s0] =	ssyncadd.tile.s32 @!p0 $0x1;
	_ =	shalt  }
.Lfunc_end2:
_tile_overlayer_lowered:
.L_overlay_start_2:
0x103: {  	(tag) =	ssettag $0x2  }
0x104: {  	s0 =	rddreg [dreg:$0x0];
	s2 =	stileid.u32  }
0x105: {  	s1 =	rddreg [dreg:$0x1];
	p0 =	sne.s32 s2, $0x0  }
0x106: {  	s3 =	rddreg [dreg:$0x2];
	[bflag:$0x3] =	sbarrier.arrive $0xFFFF;
	s2 =	simm.s32 @!p0 $0x1C05  }
0x107: {  	[timem:s3], [sflag:s2] =	dma.local @!p0 [hbm:s0], s1  }
0x108: {  	s0 =	simm.s32 @!p0 $0x5  }
0x109: {  	_ =	swait.ge @!p0 [sflag:s0], s1  }
0x10a: {  	s1 =	ssub.s32 @!p0 $0x0, s1;
	[sflag:s0] =	ssyncset.done @!p0 $0x0  }
0x10b: {  	[sflag:s0] =	ssyncadd.s32 @!p0 s1  }
0x10c: {  	[bflag:$0x3] =	sbarrier.arrive $0xFFFF  }
0x10d: {  	_ =	shalt  }

</sc_bundles>
